<compile_context>
chip_gen: v7x
topology: tpu7x:2x2x1
jax: 0.10.2.dev20260603
libtpu: 0.0.44.dev20260713+nightly
codegen_flags: <defaults>
</compile_context>

<pallas_src>
import numpy as np
import jax
import jax.numpy as jnp
from jax import lax
from jax.experimental import pallas as pl
from jax.experimental.pallas import tpu as pltpu
from jax.experimental.pallas import tpu_sc as plsc

_DIM = 12
_NCLASS = 2 ** _DIM
_SPAN = _NCLASS - _DIM - 1
_MULT = (2 ** 16 % _SPAN) ** 2 % _SPAN

_NC, _NS, _L = 2, 16, 16

_ROTS = ((13, 15, 26, 6), (17, 29, 16, 24))


def _np_threefry2x32(k0, k1, x0, x1):
    ks = [np.uint32(k0), np.uint32(k1),
          np.uint32(k0) ^ np.uint32(k1) ^ np.uint32(0x1BD11BDA)]
    x0 = (x0 + ks[0]).astype(np.uint32)
    x1 = (x1 + ks[1]).astype(np.uint32)
    for i in range(5):
        for r in _ROTS[i % 2]:
            x0 = (x0 + x1).astype(np.uint32)
            x1 = ((x1 << np.uint32(r)) | (x1 >> np.uint32(32 - r))).astype(np.uint32)
            x1 = (x1 ^ x0).astype(np.uint32)
        x0 = (x0 + ks[(i + 1) % 3]).astype(np.uint32)
        x1 = (x1 + ks[(i + 2) % 3] + np.uint32(i + 1)).astype(np.uint32)
    return x0, x1


_SA, _SB = _np_threefry2x32(np.uint32(0), np.uint32(42),
                            np.zeros(2, dtype=np.uint32),
                            np.arange(2, dtype=np.uint32))
_KEY_U = (int(_SA[0]), int(_SB[0]))
_KEY_V = (int(_SA[1]), int(_SB[1]))


def _tf_bits(key, x0, x1):
    k0, k1 = np.uint32(key[0]), np.uint32(key[1])
    k2 = np.uint32(k0 ^ k1 ^ np.uint32(0x1BD11BDA))
    x0 = x0 + jnp.uint32(k0)
    x1 = x1 + jnp.uint32(k1)

    def group(g, carry):
        x0, x1, p, q, s = carry
        even = (g % 2) == 0
        for r0, r1 in zip(*_ROTS):
            r = jnp.where(even, jnp.uint32(r0), jnp.uint32(r1))
            x0 = x0 + x1
            x1 = (x1 << r) | (x1 >> (jnp.uint32(32) - r))
            x1 = x1 ^ x0
        x0 = x0 + p
        x1 = x1 + q + (g + 1).astype(jnp.uint32)
        return (x0, x1, q, s, p)

    x0, x1, _, _, _ = lax.fori_loop(
        0, 5, group,
        (x0, x1, jnp.uint32(k1), jnp.uint32(k2), jnp.uint32(k0)))
    return x0 ^ x1


def _sc_sample_gather(action_map, batch):
    n_workers = _NC * _NS
    per_w = batch // n_workers
    n_vec = per_w // _L
    mesh = plsc.VectorSubcoreMesh(core_axis_name="c", subcore_axis_name="s")

    def body(am_hbm, r_hbm, vals_v, sem):
        wid = lax.axis_index("c") * _NS + lax.axis_index("s")
        base = wid * per_w
        lanes = lax.iota(jnp.int32, _L)
        span = jnp.uint32(_SPAN)
        mult = jnp.uint32(_MULT)

        def jbody(j, carry):
            lo = (lanes + (base + j * _L)).astype(jnp.uint32)
            hi = jnp.zeros((_L,), jnp.uint32)
            u = _tf_bits(_KEY_U, hi, lo)
            v = _tf_bits(_KEY_V, hi, lo)
            off = ((u % span) * mult + (v % span)) % span
            pltpu.async_copy(am_hbm.at[off.astype(jnp.int32)],
                             vals_v.at[pl.ds(j * _L, _L)], sem)
            return carry

        lax.fori_loop(0, n_vec, jbody, 0)
        pltpu.make_async_copy(am_hbm.at[pl.ds(0, per_w)], vals_v, sem).wait()
        pltpu.sync_copy(vals_v, r_hbm.at[pl.ds(base, per_w)])

    return pl.kernel(
        body,
        out_type=jax.ShapeDtypeStruct((batch,), jnp.float32),
        mesh=mesh,
        compiler_params=pltpu.CompilerParams(needs_layout_passes=False),
        scratch_types=[
            pltpu.VMEM((per_w,), jnp.float32),
            pltpu.SemaphoreType.DMA,
        ],
    )(action_map)


_BLK = 256


def _onehot_body(r_ref, o_ref):
    r4 = r_ref[0]
    cols = lax.broadcasted_iota(jnp.int32, (128, _NCLASS), 1)
    for a in range(_BLK // 128):
        rt = jnp.transpose(r4[a:a + 1, :], (1, 0)).astype(jnp.int32)
        o_ref[pl.ds(a * 128, 128), :] = (cols == rt).astype(jnp.float32)


def kernel(x, action_map):
    batch = x.shape[0]
    r = _sc_sample_gather(action_map, batch)
    out = pl.pallas_call(
        _onehot_body,
        grid=(batch // _BLK,),
        in_specs=[pl.BlockSpec((1, _BLK // 128, 128), lambda i: (i, 0, 0))],
        out_specs=pl.BlockSpec((_BLK, _NCLASS), lambda i: (i, 0)),
        out_shape=jax.ShapeDtypeStruct((batch, _NCLASS), jnp.float32),
    )(r.reshape(batch // _BLK, _BLK // 128, 128))
    return out

# --- scband reference (transcript-rebuilt; emitter-appended) ---
"""Pipeline reference for scband-random-host-module-82489141887508 (READ-ONLY COPY).

The authoritative reference and input builder live on the scoring server;
editing this copy changes nothing except your own understanding.
"""

import jax, jax.numpy as jnp
import numpy as np

DIMENSION = 12
BATCH = 4096
FEAT = 128


def _build_action_map(d):
    size = 2 ** d - d - 1
    am = np.zeros((size,), dtype=np.float32)
    c = 0
    for i in range(d):
        for j in range(2 ** i + 1, 2 ** (i + 1)):
            am[c] = j
            c += 1
    return jnp.asarray(am)


def setup_inputs(seed: int = 0) -> dict:
    key = jax.random.key(seed)
    x = jax.random.normal(key, (BATCH, FEAT), dtype=jnp.float32)
    action_map = _build_action_map(DIMENSION)
    return {"x": x, "action_map": action_map}


def reference(x, action_map):
    d = DIMENSION
    n = 2 ** d - d - 1
    # torch.randint(n, (x.shape[0],)) equivalent with a fixed jax key
    idx = jax.random.randint(jax.random.key(42), (x.shape[0],), 0, n)
    r = jnp.take(action_map, idx, axis=0)
    out = jax.nn.one_hot(r.astype(jnp.int32), 2 ** d, dtype=jnp.float32)
    return out

if __name__ == "__main__":
    import jax
    _d = setup_inputs()
    print(jax.jit(kernel)(*tuple(_d.values())))

</pallas_src>

<mosaic_0001>
#map = affine_map<(d0, d1) -> (0)>
module attributes {stable_mosaic.version = 14 : i64} {
  func.func @body(%arg0: i32, %arg1: i32, %arg2: memref<4083xf32, #tpu.memory_space<hbm>>, %arg3: memref<4096xf32, #tpu.memory_space<hbm>>, %arg4: memref<128xf32, #tpu.memory_space<vmem>>, %arg5: memref<!tpu.dma_semaphore, #tpu.memory_space<semaphore_mem>>) attributes {dimension_semantics = [#tpu.dimension_semantics<core_parallel>, #tpu.dimension_semantics<subcore_parallel>], iteration_bounds = array<i64: 2, 16>, scalar_prefetch = 0 : i64, scratch_operands = 2 : i64, tpu.core_type = #tpu.core_type<sc_vector_subcore>, window_params = [{transform_indices = #map}, {transform_indices = #map}]} {
    %mul3A = arith.constant 16 : i32
    %mul3A_0 = arith.muli %arg0, %mul3A : i32
    %add3A = arith.addi %mul3A_0, %arg1 : i32
    %mul3A_1 = arith.constant 128 : i32
    %mul3A_2 = arith.muli %add3A, %mul3A_1 : i32
    %iota3A = tpu.iota {dimensions = array<i32: 0>} : vector<16xi32>
    %scan3A = arith.constant 0 : i32
    %scan3A_3 = arith.constant 4083 : i32
    %scan3A_4 = arith.constant 2434 : i32
    %scan3A_5 = arith.constant 0 : i32
    %scan3A_6 = arith.constant 8 : i32
    %scan3A_7 = arith.addi %scan3A_5, %scan3A_6 : i32
    %scan3A_8 = arith.constant 1 : i32
    scf.for %scan3A_13 = %scan3A_5 to %scan3A_7 step %scan3A_8  : i32 {
      %mul3A_14 = arith.constant 16 : i32
      %mul3A_15 = arith.muli %scan3A_13, %mul3A_14 : i32
      %add3A_16 = arith.addi %mul3A_2, %mul3A_15 : i32
      %add3A_17 = vector.broadcast %add3A_16 : i32 to vector<16xi32>
      %add3A_18 = arith.addi %iota3A, %add3A_17 : vector<16xi32>
      %broadcast_in_dim3A = arith.constant 0 : i32
      %broadcast_in_dim3A_19 = vector.broadcast %broadcast_in_dim3A : i32 to vector<16xi32>
      %add3A_20 = arith.constant 1832780943 : i32
      %add3A_21 = vector.broadcast %add3A_20 : i32 to vector<16xi32>
      %add3A_22 = arith.addi %broadcast_in_dim3A_19, %add3A_21 : vector<16xi32>
      %add3A_23 = arith.constant 270669613 : i32
      %add3A_24 = vector.broadcast %add3A_23 : i32 to vector<16xi32>
      %add3A_25 = arith.addi %add3A_18, %add3A_24 : vector<16xi32>
      %scan3A_26 = arith.constant 270669613 : i32
      %scan3A_27 = arith.constant 1724713080 : i32
      %scan3A_28 = arith.constant 1832780943 : i32
      %scan3A_29 = arith.constant 0 : i32
      %scan3A_30 = arith.constant 5 : i32
      %scan3A_31 = arith.addi %scan3A_29, %scan3A_30 : i32
      %scan3A_32 = arith.constant 1 : i32
      %scan3A_33:5 = scf.for %scan3A_114 = %scan3A_29 to %scan3A_31 step %scan3A_32 iter_args(%scan3A_115 = %add3A_22, %scan3A_116 = %add3A_25, %scan3A_117 = %scan3A_26, %scan3A_118 = %scan3A_27, %scan3A_119 = %scan3A_28) -> (vector<16xi32>, vector<16xi32>, i32, i32, i32)  : i32 {
        %jit3A_120 = arith.constant 2 : i32
        %eq3A_121 = arith.constant 0 : i32
        %eq3A_122 = arith.cmpi eq, %jit3A_120, %eq3A_121 : i32
        %jit3A_123 = arith.constant 1 : i32
        %select_n3A_124 = arith.select %eq3A_122, %jit3A_123, %jit3A_120 : i32
        %rem3A_125 = arith.remsi %scan3A_114, %select_n3A_124 : i32
        %ne3A_126 = arith.constant 0 : i32
        %ne3A_127 = arith.cmpi ne, %rem3A_125, %ne3A_126 : i32
        %lt3A_128 = arith.constant 0 : i32
        %lt3A_129 = arith.cmpi slt, %rem3A_125, %lt3A_128 : i32
        %lt3A_130 = arith.constant 0 : i32
        %lt3A_131 = arith.cmpi slt, %select_n3A_124, %lt3A_130 : i32
        %ne3A_132 = arith.xori %lt3A_129, %lt3A_131 : i1
        %and3A_133 = arith.andi %ne3A_132, %ne3A_127 : i1
        %add3A_134 = arith.addi %rem3A_125, %select_n3A_124 : i32
        %select_n3A_135 = arith.select %and3A_133, %add3A_134, %rem3A_125 : i32
        %eq3A_136 = arith.constant 0 : i32
        %eq3A_137 = arith.cmpi eq, %select_n3A_135, %eq3A_136 : i32
        %jit3A_138 = arith.constant 13 : i32
        %jit3A_139 = arith.constant 17 : i32
        %select_n3A_140 = arith.select %eq3A_137, %jit3A_138, %jit3A_139 : i32
        %add3A_141 = arith.addi %scan3A_115, %scan3A_116 : vector<16xi32>
        %shift_left3A = vector.broadcast %select_n3A_140 : i32 to vector<16xi32>
        %shift_left3A_142 = arith.shli %scan3A_116, %shift_left3A : vector<16xi32>
        %sub3A = arith.constant 32 : i32
        %sub3A_143 = arith.subi %sub3A, %select_n3A_140 : i32
        %shift_right_logical3A = vector.broadcast %sub3A_143 : i32 to vector<16xi32>
        %shift_right_logical3A_144 = arith.shrui %scan3A_116, %shift_right_logical3A : vector<16xi32>
        %or3A = arith.ori %shift_left3A_142, %shift_right_logical3A_144 : vector<16xi32>
        %xor3A_145 = arith.xori %or3A, %add3A_141 : vector<16xi32>
        %jit3A_146 = arith.constant 15 : i32
        %jit3A_147 = arith.constant 29 : i32
        %select_n3A_148 = arith.select %eq3A_137, %jit3A_146, %jit3A_147 : i32
        %add3A_149 = arith.addi %add3A_141, %xor3A_145 : vector<16xi32>
        %shift_left3A_150 = vector.broadcast %select_n3A_148 : i32 to vector<16xi32>
        %shift_left3A_151 = arith.shli %xor3A_145, %shift_left3A_150 : vector<16xi32>
        %sub3A_152 = arith.constant 32 : i32
        %sub3A_153 = arith.subi %sub3A_152, %select_n3A_148 : i32
        %shift_right_logical3A_154 = vector.broadcast %sub3A_153 : i32 to vector<16xi32>
        %shift_right_logical3A_155 = arith.shrui %xor3A_145, %shift_right_logical3A_154 : vector<16xi32>
        %or3A_156 = arith.ori %shift_left3A_151, %shift_right_logical3A_155 : vector<16xi32>
        %xor3A_157 = arith.xori %or3A_156, %add3A_149 : vector<16xi32>
        %jit3A_158 = arith.constant 26 : i32
        %jit3A_159 = arith.constant 16 : i32
        %select_n3A_160 = arith.select %eq3A_137, %jit3A_158, %jit3A_159 : i32
        %add3A_161 = arith.addi %add3A_149, %xor3A_157 : vector<16xi32>
        %shift_left3A_162 = vector.broadcast %select_n3A_160 : i32 to vector<16xi32>
        %shift_left3A_163 = arith.shli %xor3A_157, %shift_left3A_162 : vector<16xi32>
        %sub3A_164 = arith.constant 32 : i32
        %sub3A_165 = arith.subi %sub3A_164, %select_n3A_160 : i32
        %shift_right_logical3A_166 = vector.broadcast %sub3A_165 : i32 to vector<16xi32>
        %shift_right_logical3A_167 = arith.shrui %xor3A_157, %shift_right_logical3A_166 : vector<16xi32>
        %or3A_168 = arith.ori %shift_left3A_163, %shift_right_logical3A_167 : vector<16xi32>
        %xor3A_169 = arith.xori %or3A_168, %add3A_161 : vector<16xi32>
        %jit3A_170 = arith.constant 6 : i32
        %jit3A_171 = arith.constant 24 : i32
        %select_n3A_172 = arith.select %eq3A_137, %jit3A_170, %jit3A_171 : i32
        %add3A_173 = arith.addi %add3A_161, %xor3A_169 : vector<16xi32>
        %shift_left3A_174 = vector.broadcast %select_n3A_172 : i32 to vector<16xi32>
        %shift_left3A_175 = arith.shli %xor3A_169, %shift_left3A_174 : vector<16xi32>
        %sub3A_176 = arith.constant 32 : i32
        %sub3A_177 = arith.subi %sub3A_176, %select_n3A_172 : i32
        %shift_right_logical3A_178 = vector.broadcast %sub3A_177 : i32 to vector<16xi32>
        %shift_right_logical3A_179 = arith.shrui %xor3A_169, %shift_right_logical3A_178 : vector<16xi32>
        %or3A_180 = arith.ori %shift_left3A_175, %shift_right_logical3A_179 : vector<16xi32>
        %xor3A_181 = arith.xori %or3A_180, %add3A_173 : vector<16xi32>
        %add3A_182 = vector.broadcast %scan3A_117 : i32 to vector<16xi32>
        %add3A_183 = arith.addi %add3A_173, %add3A_182 : vector<16xi32>
        %add3A_184 = vector.broadcast %scan3A_118 : i32 to vector<16xi32>
        %add3A_185 = arith.addi %xor3A_181, %add3A_184 : vector<16xi32>
        %add3A_186 = arith.constant 1 : i32
        %add3A_187 = arith.addi %scan3A_114, %add3A_186 : i32
        %add3A_188 = vector.broadcast %add3A_187 : i32 to vector<16xi32>
        %add3A_189 = arith.addi %add3A_185, %add3A_188 : vector<16xi32>
        scf.yield %add3A_183, %add3A_189, %scan3A_118, %scan3A_119, %scan3A_117 : vector<16xi32>, vector<16xi32>, i32, i32, i32
      }
      %scan3A_34 = arith.constant 5 : i32
      %xor3A = arith.xori %scan3A_33#0, %scan3A_33#1 : vector<16xi32>
      %add3A_35 = arith.constant 64467757 : i32
      %add3A_36 = vector.broadcast %add3A_35 : i32 to vector<16xi32>
      %add3A_37 = arith.addi %broadcast_in_dim3A_19, %add3A_36 : vector<16xi32>
      %add3A_38 = arith.constant -1378843660 : i32
      %add3A_39 = vector.broadcast %add3A_38 : i32 to vector<16xi32>
      %add3A_40 = arith.addi %add3A_18, %add3A_39 : vector<16xi32>
      %scan3A_41 = arith.constant -1378843660 : i32
      %scan3A_42 = arith.constant -1244255485 : i32
      %scan3A_43 = arith.constant 64467757 : i32
      %scan3A_44 = arith.constant 0 : i32
      %scan3A_45 = arith.constant 5 : i32
      %scan3A_46 = arith.addi %scan3A_44, %scan3A_45 : i32
      %scan3A_47 = arith.constant 1 : i32
      %scan3A_48:5 = scf.for %scan3A_114 = %scan3A_44 to %scan3A_46 step %scan3A_47 iter_args(%scan3A_115 = %add3A_37, %scan3A_116 = %add3A_40, %scan3A_117 = %scan3A_41, %scan3A_118 = %scan3A_42, %scan3A_119 = %scan3A_43) -> (vector<16xi32>, vector<16xi32>, i32, i32, i32)  : i32 {
        %jit3A_120 = arith.constant 2 : i32
        %eq3A_121 = arith.constant 0 : i32
        %eq3A_122 = arith.cmpi eq, %jit3A_120, %eq3A_121 : i32
        %jit3A_123 = arith.constant 1 : i32
        %select_n3A_124 = arith.select %eq3A_122, %jit3A_123, %jit3A_120 : i32
        %rem3A_125 = arith.remsi %scan3A_114, %select_n3A_124 : i32
        %ne3A_126 = arith.constant 0 : i32
        %ne3A_127 = arith.cmpi ne, %rem3A_125, %ne3A_126 : i32
        %lt3A_128 = arith.constant 0 : i32
        %lt3A_129 = arith.cmpi slt, %rem3A_125, %lt3A_128 : i32
        %lt3A_130 = arith.constant 0 : i32
        %lt3A_131 = arith.cmpi slt, %select_n3A_124, %lt3A_130 : i32
        %ne3A_132 = arith.xori %lt3A_129, %lt3A_131 : i1
        %and3A_133 = arith.andi %ne3A_132, %ne3A_127 : i1
        %add3A_134 = arith.addi %rem3A_125, %select_n3A_124 : i32
        %select_n3A_135 = arith.select %and3A_133, %add3A_134, %rem3A_125 : i32
        %eq3A_136 = arith.constant 0 : i32
        %eq3A_137 = arith.cmpi eq, %select_n3A_135, %eq3A_136 : i32
        %jit3A_138 = arith.constant 13 : i32
        %jit3A_139 = arith.constant 17 : i32
        %select_n3A_140 = arith.select %eq3A_137, %jit3A_138, %jit3A_139 : i32
        %add3A_141 = arith.addi %scan3A_115, %scan3A_116 : vector<16xi32>
        %shift_left3A = vector.broadcast %select_n3A_140 : i32 to vector<16xi32>
        %shift_left3A_142 = arith.shli %scan3A_116, %shift_left3A : vector<16xi32>
        %sub3A = arith.constant 32 : i32
        %sub3A_143 = arith.subi %sub3A, %select_n3A_140 : i32
        %shift_right_logical3A = vector.broadcast %sub3A_143 : i32 to vector<16xi32>
        %shift_right_logical3A_144 = arith.shrui %scan3A_116, %shift_right_logical3A : vector<16xi32>
        %or3A = arith.ori %shift_left3A_142, %shift_right_logical3A_144 : vector<16xi32>
        %xor3A_145 = arith.xori %or3A, %add3A_141 : vector<16xi32>
        %jit3A_146 = arith.constant 15 : i32
        %jit3A_147 = arith.constant 29 : i32
        %select_n3A_148 = arith.select %eq3A_137, %jit3A_146, %jit3A_147 : i32
        %add3A_149 = arith.addi %add3A_141, %xor3A_145 : vector<16xi32>
        %shift_left3A_150 = vector.broadcast %select_n3A_148 : i32 to vector<16xi32>
        %shift_left3A_151 = arith.shli %xor3A_145, %shift_left3A_150 : vector<16xi32>
        %sub3A_152 = arith.constant 32 : i32
        %sub3A_153 = arith.subi %sub3A_152, %select_n3A_148 : i32
        %shift_right_logical3A_154 = vector.broadcast %sub3A_153 : i32 to vector<16xi32>
        %shift_right_logical3A_155 = arith.shrui %xor3A_145, %shift_right_logical3A_154 : vector<16xi32>
        %or3A_156 = arith.ori %shift_left3A_151, %shift_right_logical3A_155 : vector<16xi32>
        %xor3A_157 = arith.xori %or3A_156, %add3A_149 : vector<16xi32>
        %jit3A_158 = arith.constant 26 : i32
        %jit3A_159 = arith.constant 16 : i32
        %select_n3A_160 = arith.select %eq3A_137, %jit3A_158, %jit3A_159 : i32
        %add3A_161 = arith.addi %add3A_149, %xor3A_157 : vector<16xi32>
        %shift_left3A_162 = vector.broadcast %select_n3A_160 : i32 to vector<16xi32>
        %shift_left3A_163 = arith.shli %xor3A_157, %shift_left3A_162 : vector<16xi32>
        %sub3A_164 = arith.constant 32 : i32
        %sub3A_165 = arith.subi %sub3A_164, %select_n3A_160 : i32
        %shift_right_logical3A_166 = vector.broadcast %sub3A_165 : i32 to vector<16xi32>
        %shift_right_logical3A_167 = arith.shrui %xor3A_157, %shift_right_logical3A_166 : vector<16xi32>
        %or3A_168 = arith.ori %shift_left3A_163, %shift_right_logical3A_167 : vector<16xi32>
        %xor3A_169 = arith.xori %or3A_168, %add3A_161 : vector<16xi32>
        %jit3A_170 = arith.constant 6 : i32
        %jit3A_171 = arith.constant 24 : i32
        %select_n3A_172 = arith.select %eq3A_137, %jit3A_170, %jit3A_171 : i32
        %add3A_173 = arith.addi %add3A_161, %xor3A_169 : vector<16xi32>
        %shift_left3A_174 = vector.broadcast %select_n3A_172 : i32 to vector<16xi32>
        %shift_left3A_175 = arith.shli %xor3A_169, %shift_left3A_174 : vector<16xi32>
        %sub3A_176 = arith.constant 32 : i32
        %sub3A_177 = arith.subi %sub3A_176, %select_n3A_172 : i32
        %shift_right_logical3A_178 = vector.broadcast %sub3A_177 : i32 to vector<16xi32>
        %shift_right_logical3A_179 = arith.shrui %xor3A_169, %shift_right_logical3A_178 : vector<16xi32>
        %or3A_180 = arith.ori %shift_left3A_175, %shift_right_logical3A_179 : vector<16xi32>
        %xor3A_181 = arith.xori %or3A_180, %add3A_173 : vector<16xi32>
        %add3A_182 = vector.broadcast %scan3A_117 : i32 to vector<16xi32>
        %add3A_183 = arith.addi %add3A_173, %add3A_182 : vector<16xi32>
        %add3A_184 = vector.broadcast %scan3A_118 : i32 to vector<16xi32>
        %add3A_185 = arith.addi %xor3A_181, %add3A_184 : vector<16xi32>
        %add3A_186 = arith.constant 1 : i32
        %add3A_187 = arith.addi %scan3A_114, %add3A_186 : i32
        %add3A_188 = vector.broadcast %add3A_187 : i32 to vector<16xi32>
        %add3A_189 = arith.addi %add3A_185, %add3A_188 : vector<16xi32>
        scf.yield %add3A_183, %add3A_189, %scan3A_118, %scan3A_119, %scan3A_117 : vector<16xi32>, vector<16xi32>, i32, i32, i32
      }
      %scan3A_49 = arith.constant 5 : i32
      %xor3A_50 = arith.xori %scan3A_48#0, %scan3A_48#1 : vector<16xi32>
      %eq3A = arith.constant 0 : i32
      %eq3A_51 = arith.cmpi eq, %scan3A_3, %eq3A : i32
      %jit3A = arith.constant 1 : i32
      %select_n3A = arith.select %eq3A_51, %jit3A, %scan3A_3 : i32
      %rem3A = vector.broadcast %select_n3A : i32 to vector<16xi32>
      %rem3A_52 = arith.remui %xor3A, %rem3A : vector<16xi32>
      %ne3A = arith.constant 0 : i32
      %ne3A_53 = vector.broadcast %ne3A : i32 to vector<16xi32>
      %ne3A_54 = arith.cmpi ne, %rem3A_52, %ne3A_53 : vector<16xi32>
      %lt3A = arith.constant 0 : i32
      %lt3A_55 = vector.broadcast %lt3A : i32 to vector<16xi32>
      %lt3A_56 = arith.cmpi ult, %rem3A_52, %lt3A_55 : vector<16xi32>
      %lt3A_57 = arith.constant 0 : i32
      %lt3A_58 = arith.cmpi ult, %select_n3A, %lt3A_57 : i32
      %ne3A_59 = vector.broadcast %lt3A_58 : i1 to vector<16xi1>
      %ne3A_60 = vector.broadcast %ne3A_59 : vector<16xi1> to vector<16xi1>
      %ne3A_61 = arith.xori %lt3A_56, %ne3A_60 : vector<16xi1>
      %and3A = arith.andi %ne3A_61, %ne3A_54 : vector<16xi1>
      %add3A_62 = vector.broadcast %select_n3A : i32 to vector<16xi32>
      %add3A_63 = arith.addi %rem3A_52, %add3A_62 : vector<16xi32>
      %select_n3A_64 = arith.select %and3A, %add3A_63, %rem3A_52 : vector<16xi1>, vector<16xi32>
      %mul3A_65 = vector.broadcast %scan3A_4 : i32 to vector<16xi32>
      %mul3A_66 = arith.muli %select_n3A_64, %mul3A_65 : vector<16xi32>
      %eq3A_67 = arith.constant 0 : i32
      %eq3A_68 = arith.cmpi eq, %scan3A_3, %eq3A_67 : i32
      %jit3A_69 = arith.constant 1 : i32
      %select_n3A_70 = arith.select %eq3A_68, %jit3A_69, %scan3A_3 : i32
      %rem3A_71 = vector.broadcast %select_n3A_70 : i32 to vector<16xi32>
      %rem3A_72 = arith.remui %xor3A_50, %rem3A_71 : vector<16xi32>
      %ne3A_73 = arith.constant 0 : i32
      %ne3A_74 = vector.broadcast %ne3A_73 : i32 to vector<16xi32>
      %ne3A_75 = arith.cmpi ne, %rem3A_72, %ne3A_74 : vector<16xi32>
      %lt3A_76 = arith.constant 0 : i32
      %lt3A_77 = vector.broadcast %lt3A_76 : i32 to vector<16xi32>
      %lt3A_78 = arith.cmpi ult, %rem3A_72, %lt3A_77 : vector<16xi32>
      %lt3A_79 = arith.constant 0 : i32
      %lt3A_80 = arith.cmpi ult, %select_n3A_70, %lt3A_79 : i32
      %ne3A_81 = vector.broadcast %lt3A_80 : i1 to vector<16xi1>
      %ne3A_82 = vector.broadcast %ne3A_81 : vector<16xi1> to vector<16xi1>
      %ne3A_83 = arith.xori %lt3A_78, %ne3A_82 : vector<16xi1>
      %and3A_84 = arith.andi %ne3A_83, %ne3A_75 : vector<16xi1>
      %add3A_85 = vector.broadcast %select_n3A_70 : i32 to vector<16xi32>
      %add3A_86 = arith.addi %rem3A_72, %add3A_85 : vector<16xi32>
      %select_n3A_87 = arith.select %and3A_84, %add3A_86, %rem3A_72 : vector<16xi1>, vector<16xi32>
      %add3A_88 = arith.addi %mul3A_66, %select_n3A_87 : vector<16xi32>
      %eq3A_89 = arith.constant 0 : i32
      %eq3A_90 = arith.cmpi eq, %scan3A_3, %eq3A_89 : i32
      %jit3A_91 = arith.constant 1 : i32
      %select_n3A_92 = arith.select %eq3A_90, %jit3A_91, %scan3A_3 : i32
      %rem3A_93 = vector.broadcast %select_n3A_92 : i32 to vector<16xi32>
      %rem3A_94 = arith.remui %add3A_88, %rem3A_93 : vector<16xi32>
      %ne3A_95 = arith.constant 0 : i32
      %ne3A_96 = vector.broadcast %ne3A_95 : i32 to vector<16xi32>
      %ne3A_97 = arith.cmpi ne, %rem3A_94, %ne3A_96 : vector<16xi32>
      %lt3A_98 = arith.constant 0 : i32
      %lt3A_99 = vector.broadcast %lt3A_98 : i32 to vector<16xi32>
      %lt3A_100 = arith.cmpi ult, %rem3A_94, %lt3A_99 : vector<16xi32>
      %lt3A_101 = arith.constant 0 : i32
      %lt3A_102 = arith.cmpi ult, %select_n3A_92, %lt3A_101 : i32
      %ne3A_103 = vector.broadcast %lt3A_102 : i1 to vector<16xi1>
      %ne3A_104 = vector.broadcast %ne3A_103 : vector<16xi1> to vector<16xi1>
      %ne3A_105 = arith.xori %lt3A_100, %ne3A_104 : vector<16xi1>
      %and3A_106 = arith.andi %ne3A_105, %ne3A_97 : vector<16xi1>
      %add3A_107 = vector.broadcast %select_n3A_92 : i32 to vector<16xi32>
      %add3A_108 = arith.addi %rem3A_94, %add3A_107 : vector<16xi32>
      %select_n3A_109 = arith.select %and3A_106, %add3A_108, %rem3A_94 : vector<16xi1>, vector<16xi32>
      %mul3A_110 = arith.constant 16 : i32
      %mul3A_111 = arith.muli %scan3A_13, %mul3A_110 : i32
      %dma_start3A = tpu.memref_slice %arg4[%mul3A_111] : memref<128xf32, #tpu.memory_space<vmem>> -> memref<16xf32, #tpu.memory_space<vmem>>
      %dma_start3A_112 = arith.constant 0 : i32
      %dma_start3A_113 = tpu.memref_slice %arg2[%dma_start3A_112] : memref<4083xf32, #tpu.memory_space<hbm>> -> memref<4083xf32, #tpu.memory_space<hbm>>
      tpu.enqueue_indirect_dma source(%dma_start3A_113 : memref<4083xf32, #tpu.memory_space<hbm>>) target(%dma_start3A : memref<16xf32, #tpu.memory_space<vmem>>) offsets(%select_n3A_109 : vector<16xi32>) semaphore(%arg5 : memref<!tpu.dma_semaphore, #tpu.memory_space<semaphore_mem>>)
    }
    %scan3A_9 = arith.constant 8 : i32
    %dma_wait3A = arith.constant 0 : i32
    %dma_wait3A_10 = tpu.memref_slice %arg2[%dma_wait3A] : memref<4083xf32, #tpu.memory_space<hbm>> -> memref<128xf32, #tpu.memory_space<hbm>>
    %dma_wait3A_11 = arith.constant 0 : i32
    %dma_wait3A_12 = tpu.memref_slice %arg2[%dma_wait3A_11] : memref<4083xf32, #tpu.memory_space<hbm>> -> memref<128xf32, #tpu.memory_space<hbm>>
    tpu.wait_dma2 semaphore(%arg5 : memref<!tpu.dma_semaphore, #tpu.memory_space<semaphore_mem>>) src(%dma_wait3A_12 : memref<128xf32, #tpu.memory_space<hbm>>) dst(%arg4 : memref<128xf32, #tpu.memory_space<vmem>>)
    "tpu.region"() ({
      %run_scoped3A = tpu.sem_alloc : memref<!tpu.dma_semaphore, #tpu.memory_space<semaphore_mem>>
      %dma_start3A = tpu.memref_slice %arg3[%mul3A_2] : memref<4096xf32, #tpu.memory_space<hbm>> -> memref<128xf32, #tpu.memory_space<hbm>>
      %dma_start3A_13 = tpu.memref_slice %arg3[%mul3A_2] : memref<4096xf32, #tpu.memory_space<hbm>> -> memref<128xf32, #tpu.memory_space<hbm>>
      tpu.enqueue_dma source(%arg4 : memref<128xf32, #tpu.memory_space<vmem>>) target(%dma_start3A_13 : memref<128xf32, #tpu.memory_space<hbm>>) target_semaphore(%run_scoped3A : memref<!tpu.dma_semaphore, #tpu.memory_space<semaphore_mem>>)
      %dma_wait3A_14 = tpu.memref_slice %arg3[%mul3A_2] : memref<4096xf32, #tpu.memory_space<hbm>> -> memref<128xf32, #tpu.memory_space<hbm>>
      %dma_wait3A_15 = tpu.memref_slice %arg3[%mul3A_2] : memref<4096xf32, #tpu.memory_space<hbm>> -> memref<128xf32, #tpu.memory_space<hbm>>
      tpu.wait_dma2 semaphore(%run_scoped3A : memref<!tpu.dma_semaphore, #tpu.memory_space<semaphore_mem>>) src(%arg4 : memref<128xf32, #tpu.memory_space<vmem>>) dst(%dma_wait3A_15 : memref<128xf32, #tpu.memory_space<hbm>>)
      tpu.yield
    }) : () -> ()
    return
  }
}

module attributes {stable_mosaic.version = 14 : i64} {
  func.func @_onehot_body(%arg0: i32, %arg1: memref<1x2x128xf32, #tpu.memory_space<vmem>>, %arg2: memref<256x4096xf32, #tpu.memory_space<vmem>>) attributes {dimension_semantics = [#tpu.dimension_semantics<arbitrary>], iteration_bounds = array<i64: 16>, scalar_prefetch = 0 : i64, scratch_operands = 0 : i64, tpu.core_type = #tpu.core_type<tc>, window_params = [{transform_indices = @transform_0, window_bounds = array<i64: 1, 2, 128>}, {transform_indices = @transform_1, window_bounds = array<i64: 256, 4096>}]} {
    %get3A = arith.constant 0 : index
    %get3A_0 = arith.constant 0 : index
    %get3A_1 = arith.constant 0 : index
    %get3A_2 = vector.load %arg1[%get3A, %get3A_0, %get3A_1] : memref<1x2x128xf32, #tpu.memory_space<vmem>>, vector<1x2x128xf32>
    %get3A_3 = vector.shape_cast %get3A_2 : vector<1x2x128xf32> to vector<2x128xf32>
    %iota3A = tpu.iota {dimensions = array<i32: 1>} : vector<128x4096xi32>
    %slice3A = vector.extract_strided_slice %get3A_3 {offsets = [0, 0], sizes = [1, 128], strides = [1, 1]} : vector<2x128xf32> to vector<1x128xf32>
    %transpose3A = tpu.transpose %slice3A, [1, 0] : vector<1x128xf32> -> vector<128x1xf32>
    %convert_element_type3A = arith.fptosi %transpose3A : vector<128x1xf32> to vector<128x1xi32>
    %eq3A = vector.broadcast %convert_element_type3A : vector<128x1xi32> to vector<128x4096xi32>
    %eq3A_4 = arith.cmpi eq, %iota3A, %eq3A : vector<128x4096xi32>
    %convert_element_type3A_5 = arith.extui %eq3A_4 : vector<128x4096xi1> to vector<128x4096xi32>
    %convert_element_type3A_6 = arith.sitofp %convert_element_type3A_5 : vector<128x4096xi32> to vector<128x4096xf32>
    %swap3A = arith.constant 0 : index
    %swap3A_7 = arith.constant 0 : index
    %swap3A_8 = vector.load %arg2[%swap3A, %swap3A_7] : memref<256x4096xf32, #tpu.memory_space<vmem>>, vector<128x4096xf32>
    tpu.vector_store %arg2[%swap3A, %swap3A_7], %convert_element_type3A_6 {strides = array<i32>} : memref<256x4096xf32, #tpu.memory_space<vmem>>, vector<128x4096xf32>,
    %slice3A_9 = vector.extract_strided_slice %get3A_3 {offsets = [1, 0], sizes = [1, 128], strides = [1, 1]} : vector<2x128xf32> to vector<1x128xf32>
    %transpose3A_10 = tpu.transpose %slice3A_9, [1, 0] : vector<1x128xf32> -> vector<128x1xf32>
    %convert_element_type3A_11 = arith.fptosi %transpose3A_10 : vector<128x1xf32> to vector<128x1xi32>
    %eq3A_12 = vector.broadcast %convert_element_type3A_11 : vector<128x1xi32> to vector<128x4096xi32>
    %eq3A_13 = arith.cmpi eq, %iota3A, %eq3A_12 : vector<128x4096xi32>
    %convert_element_type3A_14 = arith.extui %eq3A_13 : vector<128x4096xi1> to vector<128x4096xi32>
    %convert_element_type3A_15 = arith.sitofp %convert_element_type3A_14 : vector<128x4096xi32> to vector<128x4096xf32>
    %swap3A_16 = arith.constant 128 : index
    %swap3A_17 = arith.constant 0 : index
    %swap3A_18 = vector.load %arg2[%swap3A_16, %swap3A_17] : memref<256x4096xf32, #tpu.memory_space<vmem>>, vector<128x4096xf32>
    tpu.vector_store %arg2[%swap3A_16, %swap3A_17], %convert_element_type3A_15 {strides = array<i32>} : memref<256x4096xf32, #tpu.memory_space<vmem>>, vector<128x4096xf32>,
    return
  }
  func.func @transform_0(%arg0: i32) -> (i32, i32, i32) {
    %c0_i32 = arith.constant 0 : i32
    %c0_i32_0 = arith.constant 0 : i32
    %c0_i32_1 = arith.constant 0 : i32
    return %arg0, %c0_i32, %c0_i32_0 : i32, i32, i32
  }
  func.func @transform_1(%arg0: i32) -> (i32, i32) {
    %c0_i32 = arith.constant 0 : i32
    %c0_i32_0 = arith.constant 0 : i32
    return %arg0, %c0_i32 : i32, i32
  }
}

</mosaic_0001>

<sc_bundles>
// kernel: kernel.4.cloned.1.call-start
scs
__scs_entry_jumppad:
0x0: {  	(pc) =	sbr.rel $0x88, $3  }
0x1: {  	(tag) =	ssettag $0x0;
	lr =	simm.s32 $0x1  }
0x2: {  	[smem:$0x3FA0] =	sst lr;
	_ =	strace $0xD0000000  }
0x3: {  	_ = 	snop  }
0x4: {  	_ = 	snop  }
0x5: {  	_ = 	snop  }
0x6: {  	_ = 	snop  }
0x7: {  	_ = 	snop  }
__scs_overlays_trampoline_lowered:
0x8: {  	[smem:$0x3FAF] =	sst s0  }
0x9: {  	[smem:$0x3FB0] =	sst s1  }
0xa: {  	[smem:$0x3FB1] =	sst s2  }
0xb: {  	[smem:$0x3FB2] =	sst s3  }
0xc: {  	[smem:$0x3FB3] =	sst s4  }
0xd: {  	[smem:$0x3FB4] =	sst s5  }
0xe: {  	[smem:$0x3FB5] =	sst s6  }
0xf: {  	[smem:$0x3FB6] =	sst s7  }
0x10: {  	[smem:$0x3FB7] =	sst s8  }
0x11: {  	[smem:$0x3FB8] =	sst s9;
	s0 =	simm.s32 @!p0 $0x0  }
0x12: {  	s1 =	sld [smem:$0x3F9E];
	s0 =	simm.s32 @p0 $0x1  }
0x13: {  	[smem:$0x3FB9] =	sst s0;
	s0 =	simm.s32 @!p1 $0x0  }
0x14: {  	s2 =	sld [smem:$0x3F9D];
	s0 =	simm.s32 @p1 $0x1  }
0x15: {  	[smem:$0x3FBA] =	sst s0;
	s0 =	simm.s32 @!p2 $0x0  }
0x16: {  	s3 =	sld [smem:$0x3FDB];
	s0 =	simm.s32 @p2 $0x1  }
0x17: {  	s4 =	simm.s32 $0x1BF5;
	[smem:$0x3FBC] =	sst s0  }
0x18: {  	s0 =	sld [smem:$0x3F9F];
	_ =	swait.ge [sflag:s4], $0x0  }
0x19: {  	s7 =	sld [smem:$0x3FA0]  }
0x1a: {  	s8 =	sadd.s32 $0xFFFFE003, lr  }
0x1b: {  	s9 =	sadd.s32 $0xFFFFFEF7, lr;
	s5 =	simm.s32 $0xFFFFFFFF;
	p2 =	slt.u32 s8, $0xFFFFF086  }
0x1c: {  	p1 =	slt.u32 s9, $0xF7A;
	s5 =	simm.s32 @!p2 $0x0  }
0x1d: {  	s5 =	simm.s32 @p1 $0x1;
	p0 =	seq.s32 s7, s2  }
0x1e: {  	s7 =	smul.u32 @!p0 $0xF7A, s2;
	p2 =	seq.s32 @!p0 s5, $0x0  }
0x1f: {  	s9 =	smul.u32 $0xF7A, s1;
	s8 =	simm.s32 @!p0 $0x1BF5;
	p2 =	por !p2, p0  }
0x20: {  	[sflag:s8] =	ssyncset.s32 @!p0 $0xFFFFF086;
	s6 =	sadd.s32 @!p0 s3, s7;
	s7 =	simm.s32 @!p0 $0x108  }
0x21: {  	s3 =	sadd.s32 s3, s9;
	s6 =	sadd.s32 @!p0 $0x88, s6;
	s7 =	simm.s32 @p2 $0x1082  }
0x22: {  	[simem:s7], [sflag:s8] =	dma.local @!p0 [hbm:s6], $0xF7A  }
0x23: {  	s9 =	sor.u32 $0xD0000000, s2;
	s6 =	simm.s32 $0x108;
	_ =	swait.ge @!p0 [sflag:s8], $0x0  }
0x24: {  	s3 =	sadd.s32 $0x88, s3;
	s6 =	simm.s32 @!p1 $0x1082;
	[sflag:s4] =	ssyncset.s32 $0xFFFFF086  }
0x25: {  	[simem:s6], [sflag:s4] =	dma.local [hbm:s3], $0xF7A  }
0x26: {  	[smem:$0x3FA0] =	sst s1;
	(tag) =	ssettag s2;
	_ =	strace s9  }
0x27: {  	s1 =	sld [smem:$0x3FB0]  }
0x28: {  	s2 =	sld [smem:$0x3FB1]  }
0x29: {  	s4 =	sld [smem:$0x3FB3]  }
0x2a: {  	p0 =	seq.s32 s5, $0x0;
	s5 =	sld [smem:$0x3FB4]  }
0x2b: {  	s6 =	sld [smem:$0x3FB5]  }
0x2c: {  	s7 =	sld [smem:$0x3FB6]  }
0x2d: {  	s3 =	simm.s32 $0x108;
	s8 =	sld [smem:$0x3FB7]  }
0x2e: {  	s3 =	simm.s32 @!p0 $0x1082;
	s9 =	sld [smem:$0x3FB8]  }
0x2f: {  	lr =	sadd.s32 s0, s3;
	s0 =	sld [smem:$0x3FAF]  }
0x30: {  	s3 =	sld [smem:$0x3FB2]  }
0x31: {  	[smem:$0x3FBB] =	sst s10  }
0x32: {  	s10 =	sld [smem:$0x3FB9];
	_ =	sdelay $0x3  }
0x33: {  	p0 =	seq.s32 s10, $0x1;
	s10 =	sld [smem:$0x3FBB];
	_ =	sdelay $0x3  }
0x34: {  	[smem:$0x3FBB] =	sst s10  }
0x35: {  	s10 =	sld [smem:$0x3FBA];
	_ =	sdelay $0x3  }
0x36: {  	p1 =	seq.s32 s10, $0x1;
	s10 =	sld [smem:$0x3FBB];
	_ =	sdelay $0x3  }
0x37: {  	[smem:$0x3FBB] =	sst s10  }
0x38: {  	s10 =	sld [smem:$0x3FBC]  }
0x39: {  	_ = 	snop;
	(pc) =	sbr.ind lr, $3  }
0x3a: {  	_ = 	snop  }
0x3b: {  	_ = 	snop  }
0x3c: {  	p2 =	seq.s32 s10, $0x1;
	s10 =	sld [smem:$0x3FBB]  }
0x3d: {  	_ =	shalt  }
0x3e: {  	_ =	shalt  }
0x3f: {  	_ =	shalt  }
0x40: {  	_ =	shalt  }
0x41: {  	_ =	shalt  }
0x42: {  	_ =	shalt  }
0x43: {  	_ =	shalt  }
0x44: {  	_ =	shalt  }
0x45: {  	_ =	shalt  }
0x46: {  	_ =	shalt  }
0x47: {  	_ =	shalt  }
0x48: {  	_ =	shalt  }
0x49: {  	_ =	shalt  }
0x4a: {  	_ =	shalt  }
0x4b: {  	_ =	shalt  }
0x4c: {  	_ =	shalt  }
0x4d: {  	_ =	shalt  }
0x4e: {  	_ =	shalt  }
0x4f: {  	_ =	shalt  }
0x50: {  	_ =	shalt  }
0x51: {  	_ =	shalt  }
0x52: {  	_ =	shalt  }
0x53: {  	_ =	shalt  }
0x54: {  	_ =	shalt  }
0x55: {  	_ =	shalt  }
0x56: {  	_ =	shalt  }
0x57: {  	_ =	shalt  }
0x58: {  	_ =	shalt  }
0x59: {  	_ =	shalt  }
0x5a: {  	_ =	shalt  }
0x5b: {  	_ =	shalt  }
0x5c: {  	_ =	shalt  }
0x5d: {  	_ =	shalt  }
0x5e: {  	_ =	shalt  }
0x5f: {  	_ =	shalt  }
0x60: {  	_ =	shalt  }
0x61: {  	_ =	shalt  }
0x62: {  	_ =	shalt  }
0x63: {  	_ =	shalt  }
0x64: {  	_ =	shalt  }
0x65: {  	_ =	shalt  }
0x66: {  	_ =	shalt  }
0x67: {  	_ =	shalt  }
0x68: {  	_ =	shalt  }
0x69: {  	_ =	shalt  }
0x6a: {  	_ =	shalt  }
0x6b: {  	_ =	shalt  }
0x6c: {  	_ =	shalt  }
0x6d: {  	_ =	shalt  }
0x6e: {  	_ =	shalt  }
0x6f: {  	_ =	shalt  }
0x70: {  	_ =	shalt  }
0x71: {  	_ =	shalt  }
0x72: {  	_ =	shalt  }
0x73: {  	_ =	shalt  }
0x74: {  	_ =	shalt  }
0x75: {  	_ =	shalt  }
0x76: {  	_ =	shalt  }
0x77: {  	_ =	shalt  }
0x78: {  	_ =	shalt  }
0x79: {  	_ =	shalt  }
0x7a: {  	_ =	shalt  }
0x7b: {  	_ =	shalt  }
0x7c: {  	_ =	shalt  }
0x7d: {  	_ =	shalt  }
0x7e: {  	_ =	shalt  }
0x7f: {  	_ =	shalt  }
0x80: {  	_ =	shalt  }
0x81: {  	_ =	shalt  }
0x82: {  	_ =	shalt  }
0x83: {  	_ =	shalt  }
0x84: {  	_ =	shalt  }
0x85: {  	_ =	shalt  }
0x86: {  	_ =	shalt  }
0x87: {  	_ =	shalt  }
.Lfunc_end0:
.L_simem_size_0:
called_computation_lowered:
.L_overlay_start_0:
0x88: {  	s2 =	sld [smem:$0x3FD9]  }
0x89: {  	s3 =	sld [smem:$0x3FFE];
	_ =	sdelay $0x1  }
0x8a: {  	s1 =	srdreg.scid  }
0x8b: {  	s0 =	sand.u32 $0x1, s1  }
0x8c: {  	s18 =	sshll.u32 s0, $0xA;
	s2 =	sadd.s32 s3, s2  }
0x8d: {  	s2 =	sadd.s32 s2, s18  }
0x8e: {  	[smem:$0x3FC7] =	sst s2  }
0x8f: {  	_ = 	snop  }
0x90: {  	s2 =	sld [smem:$0x3FC9]  }
0x91: {  	s19 =	sld [smem:$0x3FD0];
	(tm) =	ssettm $0x1  }
0x92: {  	s4 =	sld [smem:$0x3FFB];
	_ =	sdelay $0x3  }
0x93: {  	_ =	strace s4  }
0x94: {  	s4 =	sld [smem:$0x3FFC];
	_ =	sdelay $0x3  }
0x95: {  	_ =	strace s4  }
0x96: {  	s4 =	sld [smem:$0x3FFD];
	_ =	sdelay $0x3  }
0x97: {  	_ =	strace s4  }
0x98: {  	_ =	strace $0x8FFFFFFF  }
0x99: {  	s20 =	sld [smem:$0x3FDB];
	_ =	sdelay $0x1  }
0x9a: {  	s5 =	simm.s32 $_scs_section_size  }
0x9b: {  	s6 =	simm.s32 $_size__tile_overlayer_lowered;
	s7 =	simm.s32 $_tile_overlayer_lowered  }
0x9c: {  	s23 =	simm.s32 $0x1BFF;
	s22 =	sshll.u32 s7, $0x1;
	s4 =	sadd.s32 s5, s20  }
0x9d: {  	s8 =	simm.s32 $0x0;
	s21 =	sshll.u32 s6, $0x1;
	s6 =	sadd.s32 s22, s4  }
0x9e: {  	[timem:s8], [sflag:s23] =	dma.local [hbm:s6], s21  }
0x9f: {  	_ =	swait.ge [sflag:s23], s21  }
0xa0: {  	s5 =	ssub.s32 $0x0, s21;
	[sflag:s23] =	ssyncset.done $0x0  }
0xa1: {  	[sflag:s23] =	ssyncadd.s32 s5;
	_ =	sdelay $0x1  }
0xa2: {  	s24 =	simm.s32 $0x1B8B  }
0xa3: {  	_ =	swait.ge [sflag:s24], $0x1  }
0xa4: {  	[sflag:s24] =	ssyncset.done $0x0  }
0xa5: {  	s25 =	simm.s32 $0x1B8E;
	[sflag:s24] =	ssyncadd.s32 $0xFFFFFFFF  }
0xa6: {  	s26 =	simm.s32 $execute0_lowered;
	[smem:$0x3FD2] =	sst s25  }
0xa7: {  	s5 =	sshll.u32 s26, $0x1;
	_ =	strace $0x80000046;
	[dreg:$0x1] =	wrdreg $0xFFFFFFFF  }
0xa8: {  	s28 =	simm.s32 $_size_execute0_lowered;
	s4 =	sadd.s32 s4, s5;
	[dreg:$0x0] =	wrdreg $0x0  }
0xa9: {  	s5 =	sshll.u32 s28, $0x1;
	[dreg:$0x2] =	wrdreg s4  }
0xaa: {  	[dreg:$0x3] =	wrdreg s5  }
0xab: {  	[dreg:$0x4] =	wrdreg $0xC0  }
0xac: {  	_ =	task [dreg:s8], $0x5FFFF  }
0xad: {  	[dreg:$0x1] =	wrdreg $0xFFFFFFFF  }
0xae: {  	[dreg:$0x0] =	wrdreg $0x60  }
0xaf: {  	[dreg:$0x2] =	wrdreg s2  }
0xb0: {  	[dreg:$0x3] =	wrdreg s19  }
0xb1: {  	[dreg:$0x4] =	wrdreg $0x9  }
0xb2: {  	_ =	task.clear_ibuf [dreg:s8], $0x5FFFF;
	_ =	strace $0x90000046  }
0xb3: {  	s29 =	simm.s32 $0x9;
	_ =	strace $0x80000048  }
0xb4: {  	_ =	swait.ge [sflag:s29], $0x1  }
0xb5: {  	[sflag:s29] =	ssyncadd.s32 $0xFFFFFFFF  }
0xb6: {  	_ =	strace $0x90000048  }
0xb7: {  	_ =	sfence  }
0xb8: {  	s30 =	sld [smem:$0x0];
	_ =	sdelay $0x2  }
0xb9: {  	s31 =	sshll.u32 s1, $0xD;
	s1 =	sshrl.u32 s1, $0x2  }
0xba: {  	s3 =	sand.u32 $0x4000, s31;
	s1 =	sadd.s32 s1, s30  }
0xbb: {  	s0 =	sor.u32 s3, s0;
	s1 =	sshll.u32 s1, $0x11  }
0xbc: {  	s0 =	sor.u32 s1, s0  }
0xbd: {  	s0 =	sadd.s32 $0x8F2B, s0  }
0xbe: {  	[sflag:s0] =	ssyncadd.remote.s32 $0x1  }
0xbf: {  	_ =	sfence.sel $0xFFFF  }
0xc0: {  	[dreg:$0x0] =	wrdreg $0xFFFFFFFF;
	(pc) =	sbr.abs _section_cstart, $3  }
0xc1: {  	[dreg:$0x1] =	wrdreg $0xFFFFFFFF  }
0xc2: {  	_ =	task.clear_ibuf [dreg:s8], $0x2FFFF;
	_ =	strace $0x9FFFFFFF  }
0xc3: {  	(tm) =	ssettm $0x7FFFFFFF  }
tec
execute0_lowered:
.L_overlay_start_1:
0x0: {  	(tag) =	ssettag $0x1  }
0x1: {  	s2 =	rddreg [dreg:$0x0]  }
0x2: {  	s5 =	rddreg [dreg:$0x1];
	s3 =	srdreg.scid  }
0x3: {  	s0 =	rddreg [dreg:$0x2];
	s1 =	stileid.u32;
	s3 =	sand.u32 $0x1, s3  }
0x4: {  	s9 =	simm.s32 $0x0;
	s7 =	sshll.u32 s1, $0x7;
	s6 =	ssub.s32 $0x2, s3  }
0x5: {  	s4 =	sshll.u32 s3, $0xB;
	s3 =	simm.s32 $0x0;
	s8 =	sshrl.u32 s6, $0x1  }
0x6: {  	s4 =	sor.u32 s7, s4;
	[smem:$0x7FF] =	sst s3;
	s6 =	ssub.s32 s6, s8  }
0x7: {  	v1 =	vlaneseq.u32;
	s7 =	sshrl.u32 s4, $0x3;
	_ =	strace $0x80000047;
	s8 =	simm.s32 $0x2  }
0x8: {  	vm0 =	vmmov $0xffff;
	v0 =	vadd.s32 $0x1022172D, v1;
	v1 =	vadd.s32 $0xADD083F4, v1;
	s5 =	sadd.s32 s5, s7;
	s6 =	smax.u32 s6, $0x1;
	s7 =	simm.s32 $0x1  }
.LBB2_1:
0x9: {  	s10 =	simm.s32 $0x0  }
.LBB2_2:
0xa: {  	s11 =	sshll.u32 s10, $0x4  }
0xb: {  	s12 =	simm.s32 $0x1022172D;
	s13 =	sor.u32 s4, s11  }
0xc: {  	v2 =	vimm.s32 $0x6D3E048F;
	s14 =	simm.s32 $0x66CD0878;
	s15 =	simm.s32 $0x6D3E048F;
	v4 =	vmov s13;
	v3 =	vadd.s32 s13, v0;
	s13 =	simm.s32 $0x1  }
.LBB2_3:
0xd: {  	s16 =	sand.u32 $0x1, s13  }
0xe: {  	p0 =	seq.s32 s16, $0x1;
	s16 =	simm.s32 $0xD  }
0xf: {  	s16 =	simm.s32 @!p0 $0x11  }
0x10: {  	s17 =	ssub.s32 $0x20, s16  }
0x11: {  	v5 =	vshll.u32 v3, s16;
	s16 =	simm.s32 $0xF;
	v6 =	vshrl.u32 v3, s17  }
0x12: {  	v2 =	vadd.s32 v2, v3;
	s16 =	simm.s32 @!p0 $0x1D;
	v3 =	vor.u32 v5, v6  }
0x13: {  	s26 =	ssub.s32 $0x20, s16;
	v3 =	vxor.u32 v2, v3  }
0x14: {  	v5 =	vshll.u32 v3, s16;
	v6 =	vshrl.u32 v3, s26;
	s16 =	simm.s32 $0x1A  }
0x15: {  	v2 =	vadd.s32 v2, v3;
	v3 =	vor.u32 v6, v5;
	s16 =	simm.s32 @!p0 $0x10  }
0x16: {  	v3 =	vxor.u32 v2, v3;
	s28 =	ssub.s32 $0x20, s16  }
0x17: {  	v5 =	vshll.u32 v3, s16;
	v6 =	vshrl.u32 v3, s28;
	s16 =	simm.s32 $0x6  }
0x18: {  	v2 =	vadd.s32 v2, v3;
	v3 =	vor.u32 v6, v5;
	s16 =	simm.s32 @!p0 $0x18;
	p0 =	sne.s32 s13, $0x5  }
.Ltmp0:
0x19: {  	v3 =	vxor.u32 v2, v3;
	s29 =	ssub.s32 $0x20, s16;
	(pc) =	sbr.rel @p0 .LBB2_3-.Ltmp0, $4  }
0x1a: {  	v5 =	vshll.u32 v3, s16;
	v6 =	vshrl.u32 v3, s29  }
0x1b: {  	s30 =	smov.u32 s14;
	v2 =	vadd.s32 v2, v3;
	v3 =	vor.u32 v6, v5  }
0x1c: {  	s14 =	smov.u32 s15;
	s31 =	sadd.s32 s13, s30;
	v3 =	vxor.u32 v2, v3  }
0x1d: {  	s15 =	smov.u32 s12;
	s13 =	sadd.s32 $0x1, s13;
	v2 =	vadd.s32 s12, v2;
	s12 =	smov.u32 s30;
	v3 =	vadd.s32 s31, v3  }
0x1e: {  	s12 =	simm.s32 $0xADD083F4  }
0x1f: {  	v5 =	vadd.s32 v1, v4;
	v4 =	vimm.s32 $0x3D7B32D;
	s14 =	simm.s32 $0xB5D62B03;
	s15 =	simm.s32 $0x3D7B32D;
	s13 =	simm.s32 $0x1  }
.LBB2_5:
0x20: {  	s16 =	sand.u32 $0x1, s13  }
0x21: {  	p0 =	seq.s32 s16, $0x1;
	s16 =	simm.s32 $0xD  }
0x22: {  	s16 =	simm.s32 @!p0 $0x11  }
0x23: {  	s17 =	ssub.s32 $0x20, s16  }
0x24: {  	v6 =	vshll.u32 v5, s16;
	s16 =	simm.s32 $0xF;
	v7 =	vshrl.u32 v5, s17  }
0x25: {  	v4 =	vadd.s32 v4, v5;
	s16 =	simm.s32 @!p0 $0x1D;
	v5 =	vor.u32 v6, v7  }
0x26: {  	s26 =	ssub.s32 $0x20, s16;
	v5 =	vxor.u32 v4, v5  }
0x27: {  	v6 =	vshll.u32 v5, s16;
	v7 =	vshrl.u32 v5, s26;
	s16 =	simm.s32 $0x1A  }
0x28: {  	v4 =	vadd.s32 v4, v5;
	v5 =	vor.u32 v7, v6;
	s16 =	simm.s32 @!p0 $0x10  }
0x29: {  	v5 =	vxor.u32 v4, v5;
	s28 =	ssub.s32 $0x20, s16  }
0x2a: {  	v6 =	vshll.u32 v5, s16;
	v7 =	vshrl.u32 v5, s28;
	s16 =	simm.s32 $0x6  }
0x2b: {  	v4 =	vadd.s32 v4, v5;
	v5 =	vor.u32 v7, v6;
	s16 =	simm.s32 @!p0 $0x18;
	p0 =	sne.s32 s13, $0x5  }
.Ltmp1:
0x2c: {  	v5 =	vxor.u32 v4, v5;
	s29 =	ssub.s32 $0x20, s16;
	(pc) =	sbr.rel @p0 .LBB2_5-.Ltmp1, $4  }
0x2d: {  	v6 =	vshll.u32 v5, s16;
	v7 =	vshrl.u32 v5, s29  }
0x2e: {  	s30 =	smov.u32 s14;
	v4 =	vadd.s32 v4, v5;
	v5 =	vor.u32 v7, v6  }
0x2f: {  	s14 =	smov.u32 s15;
	s31 =	sadd.s32 s13, s30;
	v5 =	vxor.u32 v4, v5  }
0x30: {  	s15 =	smov.u32 s12;
	s13 =	sadd.s32 $0x1, s13;
	v4 =	vadd.s32 s12, v4;
	s12 =	smov.u32 s30;
	v5 =	vadd.s32 s31, v5  }
0x31: {  	v2 =	vxor.u32 v2, v3  }
0x32: {  	v3 =	vmulhi.u32 $0x806854C5, v2  }
0x33: {  	v4 =	vxor.u32 v4, v5  }
0x34: {  	v5 =	vmulhi.u32 $0x806854C5, v4;
	v3 =	vshrl.u32 v3, $0xB  }
0x35: {  	v3 =	vmul.u32 $0xFF3, v3  }
0x36: {  	v5 =	vshrl.u32 v5, $0xB  }
0x37: {  	v2 =	vsub.s32 v2, v3;
	v3 =	vmul.u32 $0xFF3, v5  }
0x38: {  	v2 =	vmul.u32 $0x982, v2  }
0x39: {  	v3 =	vsub.s32 v4, v3  }
0x3a: {  	v2 =	vadd.s32 v2, v3  }
0x3b: {  	v3 =	vmulhi.u32 $0x806855, v2;
	_ =	sdelay $0x1  }
0x3c: {  	v3 =	vshrl.u32 v3, $0x3  }
0x3d: {  	v3 =	vmul.u32 $0xFF3, v3  }
0x3e: {  	s10 =	sadd.s32 $0x1, s10  }
0x3f: {  	p0 =	sne.s32 s10, $0x8;
	v2 =	vsub.s32 v2, v3  }
.Ltmp2:
0x40: {  	_ = 	snop;
	(pc) =	sbr.rel @p0 .LBB2_2-.Ltmp2, $2  }
0x41: {  	_ =	sdelay $0x2  }
0x42: {  	[tilespmem:s11], [sflag:$0x1] =	stream.indirect_vreg.gather [hbm4b:s2+s3], $0x1, v2, vm0, $0xb8;
	[tilespmem:$0x80] =	vst v63  }
0x43: {  	_ =	swait.ge [sflag:s7], $0x80;
	s9 =	sadd.s32 $0x1, s9  }
0x44: {  	[sflag:s7] =	ssyncset.done $0x0;
	p0 =	sne.s32 s9, s6  }
.Ltmp3:
0x45: {  	[sflag:s7] =	ssyncadd.s32 $0xFFFFFF80;
	(pc) =	sbr.rel @p0 .LBB2_1-.Ltmp3, $4  }
0x46: {  	[hbm4b:s5+s3] =	stream.linear.scatter [tilespmem:s3], [sflag:$0x2], $0x80, $0x38;
	[tilespmem:$0x80] =	vst v63  }
0x47: {  	_ =	swait.ge [sflag:s8], $0x80  }
0x48: {  	[sflag:s8] =	ssyncset.done $0x0  }
0x49: {  	[sflag:s8] =	ssyncadd.s32 $0xFFFFFF80  }
0x4a: {  	_ =	sfence.sel $0x180000  }
0x4b: {  	[bflag:$0x0] =	sbarrier.arrive $0xFFFF  }
0x4c: {  	p0 =	sne.s32 s1, $0x0;
	_ =	strace $0x90000047  }
0x4d: {  	s0 =	sadd.s32 @!p0 $0x100000, s0;
	[bflag:$0x2] =	sbarrier.arrive $0xFFFF  }
0x4e: {  	[sflag:s0] =	ssyncadd.tile.s32 @!p0 $0x1;
	_ =	shalt  }
.Lfunc_end2:
_tile_overlayer_lowered:
.L_overlay_start_2:
0x4f: {  	(tag) =	ssettag $0x2  }
0x50: {  	s0 =	rddreg [dreg:$0x0];
	s2 =	stileid.u32  }
0x51: {  	s1 =	rddreg [dreg:$0x1];
	p0 =	sne.s32 s2, $0x0  }
0x52: {  	s3 =	rddreg [dreg:$0x2];
	[bflag:$0x3] =	sbarrier.arrive $0xFFFF;
	s2 =	simm.s32 @!p0 $0x1C02  }
0x53: {  	[timem:s3], [sflag:s2] =	dma.local @!p0 [hbm:s0], s1  }
0x54: {  	s0 =	simm.s32 @!p0 $0x2  }
0x55: {  	_ =	swait.ge @!p0 [sflag:s0], s1  }
0x56: {  	s1 =	ssub.s32 @!p0 $0x0, s1;
	[sflag:s0] =	ssyncset.done @!p0 $0x0  }
0x57: {  	[sflag:s0] =	ssyncadd.s32 @!p0 s1  }
0x58: {  	[bflag:$0x3] =	sbarrier.arrive $0xFFFF  }
0x59: {  	_ =	shalt  }

</sc_bundles>
